<compile_context>
chip_gen: v7x
topology: tpu7x:2x2x1
jax: 0.10.2.dev20260603
libtpu: 0.0.44.dev20260713+nightly
codegen_flags: <defaults>
</compile_context>

<pallas_src>
import functools

import jax
import jax.numpy as jnp
from jax import lax
from jax.experimental import pallas as pl
from jax.experimental.pallas import tpu as pltpu
from jax.experimental.pallas import tpu_sc as plsc

HIDDEN = 4096
NUM_EXPERTS = 64
TOP_K = 8
BLK_T = 512
N_CHUNKS = 1

SC_CORES = 2
SC_SUBCORES = 16
SC_WORKERS = SC_CORES * SC_SUBCORES
LANES = 16


def _router_body(row0, x_ref, wt_ref, b_ref, *rest):
    routed_ref, probs_ref, acc_ref, copy_sem = rest[-4:]
    i = pl.program_id(0)
    grid = pl.num_programs(0)
    dst = routed_ref.at[pl.ds(row0 + i * BLK_T, BLK_T), :]
    copy = pltpu.make_async_copy(x_ref, dst, copy_sem)

    @pl.when(i > 0)
    def _():
        copy.wait()

    copy.start()

    x = x_ref[...]
    logits = jax.lax.dot_general(
        x.astype(jnp.bfloat16), wt_ref[...], (((1,), (0,)), ((), ())),
        preferred_element_type=jnp.float32,
    ) + b_ref[...]

    e = jnp.exp(logits)
    s = jnp.sum(e, axis=1, keepdims=True)
    p = e / s
    probs_ref[...] = p

    @pl.when(i == 0)
    def _():
        acc_ref[...] = jnp.zeros_like(acc_ref)

    acc_ref[...] += jnp.sum(p, axis=0, keepdims=True)

    @pl.when(i == grid - 1)
    def _():
        copy.wait()


def _lane_gather(x, idx):
    return lax.gather(
        x, idx[:, None],
        lax.GatherDimensionNumbers(
            offset_dims=(), collapsed_slice_dims=(0,), start_index_map=(0,)),
        (1,),
        mode=lax.GatherScatterMode.PROMISE_IN_BOUNDS)


def _sc_topk_body(probs_hbm, topi_hbm, topv_hbm, probs_v, topi_v, topv_v):
    tpw = probs_v.shape[0]
    wid = lax.axis_index("c") * SC_SUBCORES + lax.axis_index("s")
    base = wid * tpw
    pltpu.sync_copy(probs_hbm.at[pl.ds(base, tpw), :], probs_v)

    iota = lax.broadcasted_iota(jnp.int32, (LANES,), 0)
    low8 = iota < TOP_K
    shift8 = jnp.maximum(iota - TOP_K, 0)
    lane_bases = [jnp.full((LANES,), j * LANES, jnp.int32) + iota
                  for j in range(NUM_EXPERTS // LANES)]

    def merge8(ka, va, kb, vb):
        ck = jnp.where(low8, ka, lax.rev(kb, (0,)))
        cv = jnp.where(low8, va, lax.rev(vb, (0,)))
        return plsc.sort_key_val(ck, cv, descending=True)

    def top8(t):
        runs = []
        for j in range(NUM_EXPERTS // LANES):
            k = probs_v[t, pl.ds(j * LANES, LANES)]
            runs.append(plsc.sort_key_val(k, lane_bases[j], descending=True))
        m01 = merge8(*runs[0], *runs[1])
        m23 = merge8(*runs[2], *runs[3])
        kf, vf = merge8(*m01, *m23)
        ssum = jnp.sum(jnp.where(low8, kf, 0.0))
        return kf / ssum, vf

    def pack2(a, b):
        return jnp.where(low8, a, _lane_gather(b, shift8))

    def pair(t2, carry):
        t = t2 * 2
        k0, v0 = top8(t)
        k1, v1 = top8(t + 1)
        topv_v[pl.ds(t * TOP_K, LANES)] = pack2(k0, k1)
        topi_v[pl.ds(t * TOP_K, LANES)] = pack2(v0, v1)
        return carry

    lax.fori_loop(0, tpw // 2, pair, 0)

    pltpu.sync_copy(topi_v, topi_hbm.at[pl.ds(base * TOP_K, tpw * TOP_K)])
    pltpu.sync_copy(topv_v, topv_hbm.at[pl.ds(base * TOP_K, tpw * TOP_K)])


@functools.partial(jax.jit, static_argnames=())
def kernel(hidden_states, router_w, router_b):
    b, s, h = hidden_states.shape
    n = b * s
    x = hidden_states.reshape(n, h)
    wt = router_w.T.astype(jnp.bfloat16)
    bias = router_b.reshape(1, NUM_EXPERTS)

    nc = n // N_CHUNKS
    grid = nc // BLK_T

    def tc_router(c, dest):
        body = functools.partial(_router_body, c * nc)
        in_specs = [
            pl.BlockSpec((BLK_T, h), lambda i, c=c: (c * grid + i, 0)),
            pl.BlockSpec((h, NUM_EXPERTS), lambda i: (0, 0)),
            pl.BlockSpec((1, NUM_EXPERTS), lambda i: (0, 0)),
        ]
        operands = [x, wt, bias]
        aliases = {}
        if dest is not None:
            in_specs.append(pl.BlockSpec(memory_space=pl.ANY))
            operands.append(dest)
            aliases = {3: 0}
        return pl.pallas_call(
            body,
            grid=(grid,),
            in_specs=in_specs,
            out_specs=[
                pl.BlockSpec(memory_space=pl.ANY),
                pl.BlockSpec((BLK_T, NUM_EXPERTS), lambda i: (i, 0)),
                pl.BlockSpec((1, NUM_EXPERTS), lambda i: (0, 0)),
            ],
            out_shape=[
                jax.ShapeDtypeStruct((n, h), jnp.float32),
                jax.ShapeDtypeStruct((nc, NUM_EXPERTS), jnp.float32),
                jax.ShapeDtypeStruct((1, NUM_EXPERTS), jnp.float32),
            ],
            scratch_shapes=[pltpu.SemaphoreType.DMA],
            input_output_aliases=aliases,
            compiler_params=pltpu.CompilerParams(
                dimension_semantics=("arbitrary",),
            ),
        )(*operands)

    tpw = nc // SC_WORKERS
    sc_topk = functools.partial(
        pl.kernel,
        mesh=plsc.VectorSubcoreMesh(core_axis_name="c", subcore_axis_name="s"),
        out_type=[
            jax.ShapeDtypeStruct((nc * TOP_K,), jnp.int32),
            jax.ShapeDtypeStruct((nc * TOP_K,), jnp.float32),
        ],
        scratch_types=[
            pltpu.VMEM((tpw, NUM_EXPERTS), jnp.float32),
            pltpu.VMEM((tpw * TOP_K,), jnp.int32),
            pltpu.VMEM((tpw * TOP_K,), jnp.float32),
        ],
        compiler_params=pltpu.CompilerParams(needs_layout_passes=False),
    )(_sc_topk_body)

    routed = None
    probs_c, topi_c, topv_c, accs = [], [], [], []
    for c in range(N_CHUNKS):
        routed, probs, acc = tc_router(c, routed)
        topi, topv = sc_topk(probs)
        probs_c.append(probs)
        topi_c.append(topi)
        topv_c.append(topv)
        accs.append(acc)

    probs = jnp.concatenate(probs_c, axis=0)
    topi = jnp.concatenate(topi_c, axis=0)
    topv = jnp.concatenate(topv_c, axis=0)
    acc = sum(accs)

    expert_probs = acc[0] / n
    uniform = 1.0 / NUM_EXPERTS
    load_balancing_loss = jnp.mean((expert_probs - uniform) ** 2)
    return (
        routed.reshape(b, s, h),
        probs.reshape(b, s, NUM_EXPERTS),
        topi.reshape(b, s, TOP_K),
        topv.reshape(b, s, TOP_K),
        load_balancing_loss,
    )

# --- scband reference (transcript-rebuilt; emitter-appended) ---
"""Pipeline reference for scband-treadrouter-22393959482140 (READ-ONLY COPY).

The authoritative reference and input builder live on the scoring server;
editing this copy changes nothing except your own understanding.
"""

import jax, jax.numpy as jnp
import numpy as np

HIDDEN = 4096
NUM_EXPERTS = 64
TOP_K = 8
CAPACITY_FACTOR = 1.25
B, S = 2, 4096


def setup_inputs(seed: int = 0) -> dict:
    key = jax.random.key(seed)
    k1, k2, k3 = jax.random.split(key, 3)
    hidden_states = jax.random.normal(k1, (B, S, HIDDEN), dtype=jnp.float32)
    # nn.Linear(hidden_size, num_experts): weight [E, H], bias [E]
    bound = 1.0 / np.sqrt(HIDDEN)
    router_w = jax.random.uniform(k2, (NUM_EXPERTS, HIDDEN), dtype=jnp.float32, minval=-bound, maxval=bound)
    router_b = jax.random.uniform(k3, (NUM_EXPERTS,), dtype=jnp.float32, minval=-bound, maxval=bound)
    return {"hidden_states": hidden_states, "router_w": router_w, "router_b": router_b}


def reference(hidden_states, router_w, router_b):
    # router_logits = Linear(hidden_states)
    router_logits = jnp.einsum('bsh,eh->bse', hidden_states, router_w) + router_b
    router_probs = jax.nn.softmax(router_logits, axis=-1)
    top_k_probs, top_k_indices = jax.lax.top_k(router_probs, TOP_K)
    top_k_probs = top_k_probs / jnp.sum(top_k_probs, axis=-1, keepdims=True)
    # expert_capacity buffer update (scalar, not returned by forward)
    tokens_per_expert = (B * S) // NUM_EXPERTS
    expert_capacity = int(tokens_per_expert * CAPACITY_FACTOR)  # noqa: F841
    routed_states = hidden_states  # .clone() is identity in value semantics
    # load balancing loss: mse between mean expert prob and uniform
    expert_probs = jnp.mean(router_probs, axis=(0, 1))
    uniform_prob = 1.0 / NUM_EXPERTS
    load_balancing_loss = jnp.mean((expert_probs - uniform_prob) ** 2)
    return (routed_states, router_probs, top_k_indices.astype(jnp.int32), top_k_probs, load_balancing_loss)

if __name__ == "__main__":
    import jax
    _d = setup_inputs()
    print(jax.jit(kernel)(*tuple(_d.values())))

</pallas_src>

<mosaic_0001>
#map = affine_map<(d0, d1) -> (0, 0)>
#map1 = affine_map<(d0, d1) -> (0)>
module attributes {stable_mosaic.version = 14 : i64} {
  func.func @_sc_topk_body(%arg0: i32, %arg1: i32, %arg2: memref<8192x64xf32, #tpu.memory_space<hbm>>, %arg3: memref<65536xi32, #tpu.memory_space<hbm>>, %arg4: memref<65536xf32, #tpu.memory_space<hbm>>, %arg5: memref<256x64xf32, #tpu.memory_space<vmem>>, %arg6: memref<2048xi32, #tpu.memory_space<vmem>>, %arg7: memref<2048xf32, #tpu.memory_space<vmem>>) attributes {dimension_semantics = [#tpu.dimension_semantics<core_parallel>, #tpu.dimension_semantics<subcore_parallel>], iteration_bounds = array<i64: 2, 16>, scalar_prefetch = 0 : i64, scratch_operands = 3 : i64, tpu.core_type = #tpu.core_type<sc_vector_subcore>, window_params = [{transform_indices = #map}, {transform_indices = #map1}, {transform_indices = #map1}]} {
    %mul3A = arith.constant 16 : i32
    %mul3A_0 = arith.muli %arg0, %mul3A : i32
    %add3A = arith.addi %mul3A_0, %arg1 : i32
    %mul3A_1 = arith.constant 256 : i32
    %mul3A_2 = arith.muli %add3A, %mul3A_1 : i32
    "tpu.region"() ({
      %run_scoped3A = tpu.sem_alloc : memref<!tpu.dma_semaphore, #tpu.memory_space<semaphore_mem>>
      %dma_start3A = arith.constant 0 : i32
      %dma_start3A_29 = tpu.memref_slice %arg2[%mul3A_2, %dma_start3A] : memref<8192x64xf32, #tpu.memory_space<hbm>> -> memref<256x64xf32, #tpu.memory_space<hbm>>
      %dma_start3A_30 = arith.constant 0 : i32
      %dma_start3A_31 = tpu.memref_slice %arg2[%mul3A_2, %dma_start3A_30] : memref<8192x64xf32, #tpu.memory_space<hbm>> -> memref<256x64xf32, #tpu.memory_space<hbm>>
      tpu.enqueue_dma source(%dma_start3A_31 : memref<256x64xf32, #tpu.memory_space<hbm>>) target(%arg5 : memref<256x64xf32, #tpu.memory_space<vmem>>) target_semaphore(%run_scoped3A : memref<!tpu.dma_semaphore, #tpu.memory_space<semaphore_mem>>)
      %dma_wait3A = arith.constant 0 : i32
      %dma_wait3A_32 = tpu.memref_slice %arg2[%mul3A_2, %dma_wait3A] : memref<8192x64xf32, #tpu.memory_space<hbm>> -> memref<256x64xf32, #tpu.memory_space<hbm>>
      %dma_wait3A_33 = arith.constant 0 : i32
      %dma_wait3A_34 = tpu.memref_slice %arg2[%mul3A_2, %dma_wait3A_33] : memref<8192x64xf32, #tpu.memory_space<hbm>> -> memref<256x64xf32, #tpu.memory_space<hbm>>
      tpu.wait_dma2 semaphore(%run_scoped3A : memref<!tpu.dma_semaphore, #tpu.memory_space<semaphore_mem>>) src(%dma_wait3A_34 : memref<256x64xf32, #tpu.memory_space<hbm>>) dst(%arg5 : memref<256x64xf32, #tpu.memory_space<vmem>>)
      tpu.yield
    }) : () -> ()
    %iota3A = tpu.iota {dimensions = array<i32: 0>} : vector<16xi32>
    %lt3A = arith.constant 8 : i32
    %lt3A_3 = vector.broadcast %lt3A : i32 to vector<16xi32>
    %lt3A_4 = arith.cmpi slt, %iota3A, %lt3A_3 : vector<16xi32>
    %sub3A = arith.constant 8 : i32
    %sub3A_5 = vector.broadcast %sub3A : i32 to vector<16xi32>
    %sub3A_6 = arith.subi %iota3A, %sub3A_5 : vector<16xi32>
    %max3A = arith.constant 0 : i32
    %max3A_7 = vector.broadcast %max3A : i32 to vector<16xi32>
    %max3A_8 = arith.maxsi %sub3A_6, %max3A_7 : vector<16xi32>
    %broadcast_in_dim3A = arith.constant 0 : i32
    %broadcast_in_dim3A_9 = vector.broadcast %broadcast_in_dim3A : i32 to vector<16xi32>
    %add3A_10 = arith.addi %broadcast_in_dim3A_9, %iota3A : vector<16xi32>
    %broadcast_in_dim3A_11 = arith.constant 16 : i32
    %broadcast_in_dim3A_12 = vector.broadcast %broadcast_in_dim3A_11 : i32 to vector<16xi32>
    %add3A_13 = arith.addi %broadcast_in_dim3A_12, %iota3A : vector<16xi32>
    %broadcast_in_dim3A_14 = arith.constant 32 : i32
    %broadcast_in_dim3A_15 = vector.broadcast %broadcast_in_dim3A_14 : i32 to vector<16xi32>
    %add3A_16 = arith.addi %broadcast_in_dim3A_15, %iota3A : vector<16xi32>
    %broadcast_in_dim3A_17 = arith.constant 48 : i32
    %broadcast_in_dim3A_18 = vector.broadcast %broadcast_in_dim3A_17 : i32 to vector<16xi32>
    %add3A_19 = arith.addi %broadcast_in_dim3A_18, %iota3A : vector<16xi32>
    %scan3A = arith.constant 0 : i32
    %scan3A_20 = arith.constant 0 : i32
    %scan3A_21 = arith.constant 128 : i32
    %scan3A_22 = arith.addi %scan3A_20, %scan3A_21 : i32
    %scan3A_23 = arith.constant 1 : i32
    scf.for %scan3A_29 = %scan3A_20 to %scan3A_22 step %scan3A_23  : i32 {
      %mul3A_30 = arith.constant 2 : i32
      %mul3A_31 = arith.muli %scan3A_29, %mul3A_30 : i32
      %get3A = arith.index_cast %mul3A_31 : i32 to index
      %get3A_32 = arith.constant 0 : index
      %get3A_33 = tpu.vector_load %arg5[%get3A, %get3A_32] {strides = array<i32>} : memref<256x64xf32, #tpu.memory_space<vmem>>, vector<16xf32>,
      %masked_sort3A = arith.constant dense<true> : vector<16xi1>
      %masked_sort3A_34, %masked_sort3A_35, %masked_sort3A_36 = tpu.sort %get3A_33, %add3A_10 masked %masked_sort3A {descending = true} : (vector<16xf32>, vector<16xi32>, vector<16xi1>) -> (vector<16xi1>, vector<16xf32>, vector<16xi32>)
      %get3A_37 = arith.index_cast %mul3A_31 : i32 to index
      %get3A_38 = arith.constant 16 : index
      %get3A_39 = tpu.vector_load %arg5[%get3A_37, %get3A_38] {strides = array<i32>} : memref<256x64xf32, #tpu.memory_space<vmem>>, vector<16xf32>,
      %masked_sort3A_40 = arith.constant dense<true> : vector<16xi1>
      %masked_sort3A_41, %masked_sort3A_42, %masked_sort3A_43 = tpu.sort %get3A_39, %add3A_13 masked %masked_sort3A_40 {descending = true} : (vector<16xf32>, vector<16xi32>, vector<16xi1>) -> (vector<16xi1>, vector<16xf32>, vector<16xi32>)
      %get3A_44 = arith.index_cast %mul3A_31 : i32 to index
      %get3A_45 = arith.constant 32 : index
      %get3A_46 = tpu.vector_load %arg5[%get3A_44, %get3A_45] {strides = array<i32>} : memref<256x64xf32, #tpu.memory_space<vmem>>, vector<16xf32>,
      %masked_sort3A_47 = arith.constant dense<true> : vector<16xi1>
      %masked_sort3A_48, %masked_sort3A_49, %masked_sort3A_50 = tpu.sort %get3A_46, %add3A_16 masked %masked_sort3A_47 {descending = true} : (vector<16xf32>, vector<16xi32>, vector<16xi1>) -> (vector<16xi1>, vector<16xf32>, vector<16xi32>)
      %get3A_51 = arith.index_cast %mul3A_31 : i32 to index
      %get3A_52 = arith.constant 48 : index
      %get3A_53 = tpu.vector_load %arg5[%get3A_51, %get3A_52] {strides = array<i32>} : memref<256x64xf32, #tpu.memory_space<vmem>>, vector<16xf32>,
      %masked_sort3A_54 = arith.constant dense<true> : vector<16xi1>
      %masked_sort3A_55, %masked_sort3A_56, %masked_sort3A_57 = tpu.sort %get3A_53, %add3A_19 masked %masked_sort3A_54 {descending = true} : (vector<16xf32>, vector<16xi32>, vector<16xi1>) -> (vector<16xi1>, vector<16xf32>, vector<16xi32>)
      %rev3A = arith.constant 15 : i32
      %rev3A_58 = vector.broadcast %rev3A : i32 to vector<16xi32>
      %rev3A_59 = tpu.iota {dimensions = array<i32: 0>} : vector<16xi32>
      %rev3A_60 = arith.subi %rev3A_58, %rev3A_59 : vector<16xi32>
      %rev3A_61 = tpu.dynamic_gather %masked_sort3A_42[%rev3A_60] in [0] : vector<16xf32>, vector<16xi32> -> vector<16xf32>
      %select_n3A = arith.select %lt3A_4, %masked_sort3A_35, %rev3A_61 : vector<16xi1>, vector<16xf32>
      %rev3A_62 = arith.constant 15 : i32
      %rev3A_63 = vector.broadcast %rev3A_62 : i32 to vector<16xi32>
      %rev3A_64 = tpu.iota {dimensions = array<i32: 0>} : vector<16xi32>
      %rev3A_65 = arith.subi %rev3A_63, %rev3A_64 : vector<16xi32>
      %rev3A_66 = tpu.dynamic_gather %masked_sort3A_43[%rev3A_65] in [0] : vector<16xi32>, vector<16xi32> -> vector<16xi32>
      %select_n3A_67 = arith.select %lt3A_4, %masked_sort3A_36, %rev3A_66 : vector<16xi1>, vector<16xi32>
      %masked_sort3A_68 = arith.constant dense<true> : vector<16xi1>
      %masked_sort3A_69, %masked_sort3A_70, %masked_sort3A_71 = tpu.sort %select_n3A, %select_n3A_67 masked %masked_sort3A_68 {descending = true} : (vector<16xf32>, vector<16xi32>, vector<16xi1>) -> (vector<16xi1>, vector<16xf32>, vector<16xi32>)
      %rev3A_72 = arith.constant 15 : i32
      %rev3A_73 = vector.broadcast %rev3A_72 : i32 to vector<16xi32>
      %rev3A_74 = tpu.iota {dimensions = array<i32: 0>} : vector<16xi32>
      %rev3A_75 = arith.subi %rev3A_73, %rev3A_74 : vector<16xi32>
      %rev3A_76 = tpu.dynamic_gather %masked_sort3A_56[%rev3A_75] in [0] : vector<16xf32>, vector<16xi32> -> vector<16xf32>
      %select_n3A_77 = arith.select %lt3A_4, %masked_sort3A_49, %rev3A_76 : vector<16xi1>, vector<16xf32>
      %rev3A_78 = arith.constant 15 : i32
      %rev3A_79 = vector.broadcast %rev3A_78 : i32 to vector<16xi32>
      %rev3A_80 = tpu.iota {dimensions = array<i32: 0>} : vector<16xi32>
      %rev3A_81 = arith.subi %rev3A_79, %rev3A_80 : vector<16xi32>
      %rev3A_82 = tpu.dynamic_gather %masked_sort3A_57[%rev3A_81] in [0] : vector<16xi32>, vector<16xi32> -> vector<16xi32>
      %select_n3A_83 = arith.select %lt3A_4, %masked_sort3A_50, %rev3A_82 : vector<16xi1>, vector<16xi32>
      %masked_sort3A_84 = arith.constant dense<true> : vector<16xi1>
      %masked_sort3A_85, %masked_sort3A_86, %masked_sort3A_87 = tpu.sort %select_n3A_77, %select_n3A_83 masked %masked_sort3A_84 {descending = true} : (vector<16xf32>, vector<16xi32>, vector<16xi1>) -> (vector<16xi1>, vector<16xf32>, vector<16xi32>)
      %rev3A_88 = arith.constant 15 : i32
      %rev3A_89 = vector.broadcast %rev3A_88 : i32 to vector<16xi32>
      %rev3A_90 = tpu.iota {dimensions = array<i32: 0>} : vector<16xi32>
      %rev3A_91 = arith.subi %rev3A_89, %rev3A_90 : vector<16xi32>
      %rev3A_92 = tpu.dynamic_gather %masked_sort3A_86[%rev3A_91] in [0] : vector<16xf32>, vector<16xi32> -> vector<16xf32>
      %select_n3A_93 = arith.select %lt3A_4, %masked_sort3A_70, %rev3A_92 : vector<16xi1>, vector<16xf32>
      %rev3A_94 = arith.constant 15 : i32
      %rev3A_95 = vector.broadcast %rev3A_94 : i32 to vector<16xi32>
      %rev3A_96 = tpu.iota {dimensions = array<i32: 0>} : vector<16xi32>
      %rev3A_97 = arith.subi %rev3A_95, %rev3A_96 : vector<16xi32>
      %rev3A_98 = tpu.dynamic_gather %masked_sort3A_87[%rev3A_97] in [0] : vector<16xi32>, vector<16xi32> -> vector<16xi32>
      %select_n3A_99 = arith.select %lt3A_4, %masked_sort3A_71, %rev3A_98 : vector<16xi1>, vector<16xi32>
      %masked_sort3A_100 = arith.constant dense<true> : vector<16xi1>
      %masked_sort3A_101, %masked_sort3A_102, %masked_sort3A_103 = tpu.sort %select_n3A_93, %select_n3A_99 masked %masked_sort3A_100 {descending = true} : (vector<16xf32>, vector<16xi32>, vector<16xi1>) -> (vector<16xi1>, vector<16xf32>, vector<16xi32>)
      %jit3A = arith.constant 0.000000e+00 : f32
      %broadcast_in_dim3A_104 = vector.broadcast %jit3A : f32 to vector<16xf32>
      %select_n3A_105 = arith.select %lt3A_4, %masked_sort3A_102, %broadcast_in_dim3A_104 : vector<16xi1>, vector<16xf32>
      %reduce_sum3A = arith.constant true
      %reduce_sum3A_106 = vector.broadcast %reduce_sum3A : i1 to vector<16xi1>
      %reduce_sum3A_107 = tpu.scan <sum>, %select_n3A_105 masked %reduce_sum3A_106 : vector<16xf32>, vector<16xi1> -> vector<16xf32>
      %reduce_sum3A_108 = vector.extract %reduce_sum3A_107[15] : f32 from vector<16xf32>
      %div3A = vector.broadcast %reduce_sum3A_108 : f32 to vector<16xf32>
      %div3A_109 = arith.divf %masked_sort3A_102, %div3A : vector<16xf32>
      %add3A_110 = arith.constant 1 : i32
      %add3A_111 = arith.addi %mul3A_31, %add3A_110 : i32
      %get3A_112 = arith.index_cast %add3A_111 : i32 to index
      %get3A_113 = arith.constant 0 : index
      %get3A_114 = tpu.vector_load %arg5[%get3A_112, %get3A_113] {strides = array<i32>} : memref<256x64xf32, #tpu.memory_space<vmem>>, vector<16xf32>,
      %masked_sort3A_115 = arith.constant dense<true> : vector<16xi1>
      %masked_sort3A_116, %masked_sort3A_117, %masked_sort3A_118 = tpu.sort %get3A_114, %add3A_10 masked %masked_sort3A_115 {descending = true} : (vector<16xf32>, vector<16xi32>, vector<16xi1>) -> (vector<16xi1>, vector<16xf32>, vector<16xi32>)
      %get3A_119 = arith.index_cast %add3A_111 : i32 to index
      %get3A_120 = arith.constant 16 : index
      %get3A_121 = tpu.vector_load %arg5[%get3A_119, %get3A_120] {strides = array<i32>} : memref<256x64xf32, #tpu.memory_space<vmem>>, vector<16xf32>,
      %masked_sort3A_122 = arith.constant dense<true> : vector<16xi1>
      %masked_sort3A_123, %masked_sort3A_124, %masked_sort3A_125 = tpu.sort %get3A_121, %add3A_13 masked %masked_sort3A_122 {descending = true} : (vector<16xf32>, vector<16xi32>, vector<16xi1>) -> (vector<16xi1>, vector<16xf32>, vector<16xi32>)
      %get3A_126 = arith.index_cast %add3A_111 : i32 to index
      %get3A_127 = arith.constant 32 : index
      %get3A_128 = tpu.vector_load %arg5[%get3A_126, %get3A_127] {strides = array<i32>} : memref<256x64xf32, #tpu.memory_space<vmem>>, vector<16xf32>,
      %masked_sort3A_129 = arith.constant dense<true> : vector<16xi1>
      %masked_sort3A_130, %masked_sort3A_131, %masked_sort3A_132 = tpu.sort %get3A_128, %add3A_16 masked %masked_sort3A_129 {descending = true} : (vector<16xf32>, vector<16xi32>, vector<16xi1>) -> (vector<16xi1>, vector<16xf32>, vector<16xi32>)
      %get3A_133 = arith.index_cast %add3A_111 : i32 to index
      %get3A_134 = arith.constant 48 : index
      %get3A_135 = tpu.vector_load %arg5[%get3A_133, %get3A_134] {strides = array<i32>} : memref<256x64xf32, #tpu.memory_space<vmem>>, vector<16xf32>,
      %masked_sort3A_136 = arith.constant dense<true> : vector<16xi1>
      %masked_sort3A_137, %masked_sort3A_138, %masked_sort3A_139 = tpu.sort %get3A_135, %add3A_19 masked %masked_sort3A_136 {descending = true} : (vector<16xf32>, vector<16xi32>, vector<16xi1>) -> (vector<16xi1>, vector<16xf32>, vector<16xi32>)
      %rev3A_140 = arith.constant 15 : i32
      %rev3A_141 = vector.broadcast %rev3A_140 : i32 to vector<16xi32>
      %rev3A_142 = tpu.iota {dimensions = array<i32: 0>} : vector<16xi32>
      %rev3A_143 = arith.subi %rev3A_141, %rev3A_142 : vector<16xi32>
      %rev3A_144 = tpu.dynamic_gather %masked_sort3A_124[%rev3A_143] in [0] : vector<16xf32>, vector<16xi32> -> vector<16xf32>
      %select_n3A_145 = arith.select %lt3A_4, %masked_sort3A_117, %rev3A_144 : vector<16xi1>, vector<16xf32>
      %rev3A_146 = arith.constant 15 : i32
      %rev3A_147 = vector.broadcast %rev3A_146 : i32 to vector<16xi32>
      %rev3A_148 = tpu.iota {dimensions = array<i32: 0>} : vector<16xi32>
      %rev3A_149 = arith.subi %rev3A_147, %rev3A_148 : vector<16xi32>
      %rev3A_150 = tpu.dynamic_gather %masked_sort3A_125[%rev3A_149] in [0] : vector<16xi32>, vector<16xi32> -> vector<16xi32>
      %select_n3A_151 = arith.select %lt3A_4, %masked_sort3A_118, %rev3A_150 : vector<16xi1>, vector<16xi32>
      %masked_sort3A_152 = arith.constant dense<true> : vector<16xi1>
      %masked_sort3A_153, %masked_sort3A_154, %masked_sort3A_155 = tpu.sort %select_n3A_145, %select_n3A_151 masked %masked_sort3A_152 {descending = true} : (vector<16xf32>, vector<16xi32>, vector<16xi1>) -> (vector<16xi1>, vector<16xf32>, vector<16xi32>)
      %rev3A_156 = arith.constant 15 : i32
      %rev3A_157 = vector.broadcast %rev3A_156 : i32 to vector<16xi32>
      %rev3A_158 = tpu.iota {dimensions = array<i32: 0>} : vector<16xi32>
      %rev3A_159 = arith.subi %rev3A_157, %rev3A_158 : vector<16xi32>
      %rev3A_160 = tpu.dynamic_gather %masked_sort3A_138[%rev3A_159] in [0] : vector<16xf32>, vector<16xi32> -> vector<16xf32>
      %select_n3A_161 = arith.select %lt3A_4, %masked_sort3A_131, %rev3A_160 : vector<16xi1>, vector<16xf32>
      %rev3A_162 = arith.constant 15 : i32
      %rev3A_163 = vector.broadcast %rev3A_162 : i32 to vector<16xi32>
      %rev3A_164 = tpu.iota {dimensions = array<i32: 0>} : vector<16xi32>
      %rev3A_165 = arith.subi %rev3A_163, %rev3A_164 : vector<16xi32>
      %rev3A_166 = tpu.dynamic_gather %masked_sort3A_139[%rev3A_165] in [0] : vector<16xi32>, vector<16xi32> -> vector<16xi32>
      %select_n3A_167 = arith.select %lt3A_4, %masked_sort3A_132, %rev3A_166 : vector<16xi1>, vector<16xi32>
      %masked_sort3A_168 = arith.constant dense<true> : vector<16xi1>
      %masked_sort3A_169, %masked_sort3A_170, %masked_sort3A_171 = tpu.sort %select_n3A_161, %select_n3A_167 masked %masked_sort3A_168 {descending = true} : (vector<16xf32>, vector<16xi32>, vector<16xi1>) -> (vector<16xi1>, vector<16xf32>, vector<16xi32>)
      %rev3A_172 = arith.constant 15 : i32
      %rev3A_173 = vector.broadcast %rev3A_172 : i32 to vector<16xi32>
      %rev3A_174 = tpu.iota {dimensions = array<i32: 0>} : vector<16xi32>
      %rev3A_175 = arith.subi %rev3A_173, %rev3A_174 : vector<16xi32>
      %rev3A_176 = tpu.dynamic_gather %masked_sort3A_170[%rev3A_175] in [0] : vector<16xf32>, vector<16xi32> -> vector<16xf32>
      %select_n3A_177 = arith.select %lt3A_4, %masked_sort3A_154, %rev3A_176 : vector<16xi1>, vector<16xf32>
      %rev3A_178 = arith.constant 15 : i32
      %rev3A_179 = vector.broadcast %rev3A_178 : i32 to vector<16xi32>
      %rev3A_180 = tpu.iota {dimensions = array<i32: 0>} : vector<16xi32>
      %rev3A_181 = arith.subi %rev3A_179, %rev3A_180 : vector<16xi32>
      %rev3A_182 = tpu.dynamic_gather %masked_sort3A_171[%rev3A_181] in [0] : vector<16xi32>, vector<16xi32> -> vector<16xi32>
      %select_n3A_183 = arith.select %lt3A_4, %masked_sort3A_155, %rev3A_182 : vector<16xi1>, vector<16xi32>
      %masked_sort3A_184 = arith.constant dense<true> : vector<16xi1>
      %masked_sort3A_185, %masked_sort3A_186, %masked_sort3A_187 = tpu.sort %select_n3A_177, %select_n3A_183 masked %masked_sort3A_184 {descending = true} : (vector<16xf32>, vector<16xi32>, vector<16xi1>) -> (vector<16xi1>, vector<16xf32>, vector<16xi32>)
      %jit3A_188 = arith.constant 0.000000e+00 : f32
      %broadcast_in_dim3A_189 = vector.broadcast %jit3A_188 : f32 to vector<16xf32>
      %select_n3A_190 = arith.select %lt3A_4, %masked_sort3A_186, %broadcast_in_dim3A_189 : vector<16xi1>, vector<16xf32>
      %reduce_sum3A_191 = arith.constant true
      %reduce_sum3A_192 = vector.broadcast %reduce_sum3A_191 : i1 to vector<16xi1>
      %reduce_sum3A_193 = tpu.scan <sum>, %select_n3A_190 masked %reduce_sum3A_192 : vector<16xf32>, vector<16xi1> -> vector<16xf32>
      %reduce_sum3A_194 = vector.extract %reduce_sum3A_193[15] : f32 from vector<16xf32>
      %div3A_195 = vector.broadcast %reduce_sum3A_194 : f32 to vector<16xf32>
      %div3A_196 = arith.divf %masked_sort3A_186, %div3A_195 : vector<16xf32>
      %broadcast_in_dim3A_197 = vector.shape_cast %max3A_8 : vector<16xi32> to vector<16x1xi32>
      %gather3A = vector.shape_cast %broadcast_in_dim3A_197 : vector<16x1xi32> to vector<16xi32>
      %gather3A_198 = tpu.dynamic_gather %div3A_196[%gather3A] in [0] : vector<16xf32>, vector<16xi32> -> vector<16xf32>
      %select_n3A_199 = arith.select %lt3A_4, %div3A_109, %gather3A_198 : vector<16xi1>, vector<16xf32>
      %mul3A_200 = arith.constant 8 : i32
      %mul3A_201 = arith.muli %mul3A_31, %mul3A_200 : i32
      %swap3A = arith.index_cast %mul3A_201 : i32 to index
      %swap3A_202 = tpu.vector_load %arg7[%swap3A] {strides = array<i32>} : memref<2048xf32, #tpu.memory_space<vmem>>, vector<16xf32>,
      tpu.vector_store %arg7[%swap3A], %select_n3A_199 {strides = array<i32>} : memref<2048xf32, #tpu.memory_space<vmem>>, vector<16xf32>,
      %broadcast_in_dim3A_203 = vector.shape_cast %max3A_8 : vector<16xi32> to vector<16x1xi32>
      %gather3A_204 = vector.shape_cast %broadcast_in_dim3A_203 : vector<16x1xi32> to vector<16xi32>
      %gather3A_205 = tpu.dynamic_gather %masked_sort3A_187[%gather3A_204] in [0] : vector<16xi32>, vector<16xi32> -> vector<16xi32>
      %select_n3A_206 = arith.select %lt3A_4, %masked_sort3A_103, %gather3A_205 : vector<16xi1>, vector<16xi32>
      %mul3A_207 = arith.constant 8 : i32
      %mul3A_208 = arith.muli %mul3A_31, %mul3A_207 : i32
      %swap3A_209 = arith.index_cast %mul3A_208 : i32 to index
      %swap3A_210 = tpu.vector_load %arg6[%swap3A_209] {strides = array<i32>} : memref<2048xi32, #tpu.memory_space<vmem>>, vector<16xi32>,
      tpu.vector_store %arg6[%swap3A_209], %select_n3A_206 {strides = array<i32>} : memref<2048xi32, #tpu.memory_space<vmem>>, vector<16xi32>,
    }
    %scan3A_24 = arith.constant 128 : i32
    %mul3A_25 = arith.constant 8 : i32
    %mul3A_26 = arith.muli %mul3A_2, %mul3A_25 : i32
    "tpu.region"() ({
      %run_scoped3A = tpu.sem_alloc : memref<!tpu.dma_semaphore, #tpu.memory_space<semaphore_mem>>
      %dma_start3A = tpu.memref_slice %arg3[%mul3A_26] : memref<65536xi32, #tpu.memory_space<hbm>> -> memref<2048xi32, #tpu.memory_space<hbm>>
      %dma_start3A_29 = tpu.memref_slice %arg3[%mul3A_26] : memref<65536xi32, #tpu.memory_space<hbm>> -> memref<2048xi32, #tpu.memory_space<hbm>>
      tpu.enqueue_dma source(%arg6 : memref<2048xi32, #tpu.memory_space<vmem>>) target(%dma_start3A_29 : memref<2048xi32, #tpu.memory_space<hbm>>) target_semaphore(%run_scoped3A : memref<!tpu.dma_semaphore, #tpu.memory_space<semaphore_mem>>)
      %dma_wait3A = tpu.memref_slice %arg3[%mul3A_26] : memref<65536xi32, #tpu.memory_space<hbm>> -> memref<2048xi32, #tpu.memory_space<hbm>>
      %dma_wait3A_30 = tpu.memref_slice %arg3[%mul3A_26] : memref<65536xi32, #tpu.memory_space<hbm>> -> memref<2048xi32, #tpu.memory_space<hbm>>
      tpu.wait_dma2 semaphore(%run_scoped3A : memref<!tpu.dma_semaphore, #tpu.memory_space<semaphore_mem>>) src(%arg6 : memref<2048xi32, #tpu.memory_space<vmem>>) dst(%dma_wait3A_30 : memref<2048xi32, #tpu.memory_space<hbm>>)
      tpu.yield
    }) : () -> ()
    %mul3A_27 = arith.constant 8 : i32
    %mul3A_28 = arith.muli %mul3A_2, %mul3A_27 : i32
    "tpu.region"() ({
      %run_scoped3A = tpu.sem_alloc : memref<!tpu.dma_semaphore, #tpu.memory_space<semaphore_mem>>
      %dma_start3A = tpu.memref_slice %arg4[%mul3A_28] : memref<65536xf32, #tpu.memory_space<hbm>> -> memref<2048xf32, #tpu.memory_space<hbm>>
      %dma_start3A_29 = tpu.memref_slice %arg4[%mul3A_28] : memref<65536xf32, #tpu.memory_space<hbm>> -> memref<2048xf32, #tpu.memory_space<hbm>>
      tpu.enqueue_dma source(%arg7 : memref<2048xf32, #tpu.memory_space<vmem>>) target(%dma_start3A_29 : memref<2048xf32, #tpu.memory_space<hbm>>) target_semaphore(%run_scoped3A : memref<!tpu.dma_semaphore, #tpu.memory_space<semaphore_mem>>)
      %dma_wait3A = tpu.memref_slice %arg4[%mul3A_28] : memref<65536xf32, #tpu.memory_space<hbm>> -> memref<2048xf32, #tpu.memory_space<hbm>>
      %dma_wait3A_30 = tpu.memref_slice %arg4[%mul3A_28] : memref<65536xf32, #tpu.memory_space<hbm>> -> memref<2048xf32, #tpu.memory_space<hbm>>
      tpu.wait_dma2 semaphore(%run_scoped3A : memref<!tpu.dma_semaphore, #tpu.memory_space<semaphore_mem>>) src(%arg7 : memref<2048xf32, #tpu.memory_space<vmem>>) dst(%dma_wait3A_30 : memref<2048xf32, #tpu.memory_space<hbm>>)
      tpu.yield
    }) : () -> ()
    return
  }
}

module attributes {stable_mosaic.version = 14 : i64} {
  func.func @_router_body(%arg0: i32, %arg1: memref<512x4096xf32, #tpu.memory_space<vmem>>, %arg2: memref<4096x64xbf16, #tpu.memory_space<vmem>>, %arg3: memref<1x64xf32, #tpu.memory_space<vmem>>, %arg4: memref<8192x4096xf32, #tpu.memory_space<any>>, %arg5: memref<512x64xf32, #tpu.memory_space<vmem>>, %arg6: memref<1x64xf32, #tpu.memory_space<vmem>>, %arg7: memref<!tpu.dma_semaphore, #tpu.memory_space<semaphore_mem>>) attributes {dimension_semantics = [#tpu.dimension_semantics<arbitrary>], iteration_bounds = array<i64: 16>, scalar_prefetch = 0 : i64, scratch_operands = 1 : i64, tpu.core_type = #tpu.core_type<tc>, window_params = [{transform_indices = @transform_0, window_bounds = array<i64: 512, 4096>}, {pipeline_mode = #tpu.pipeline_mode<synchronous>, transform_indices = @transform_1, window_bounds = array<i64: 4096, 64>}, {pipeline_mode = #tpu.pipeline_mode<synchronous>, transform_indices = @transform_2, window_bounds = array<i64: 1, 64>}, {}, {transform_indices = @transform_4, window_bounds = array<i64: 512, 64>}, {pipeline_mode = #tpu.pipeline_mode<synchronous>, transform_indices = @transform_5, window_bounds = array<i64: 1, 64>}]} {
    %mul3A = arith.constant 512 : i32
    %mul3A_0 = arith.muli %arg0, %mul3A : i32
    %add3A = arith.constant 0 : i32
    %add3A_1 = arith.addi %add3A, %mul3A_0 : i32
    %gt3A = arith.constant 0 : i32
    %gt3A_2 = arith.cmpi sgt, %arg0, %gt3A : i32
    %convert_element_type3A = arith.extui %gt3A_2 : i1 to i32
    %cond3A = arith.constant 0 : i32
    %cond3A_3 = arith.cmpi ne, %convert_element_type3A, %cond3A : i32
    scf.if %cond3A_3 {
      %dma_wait3A = arith.constant 0 : i32
      %dma_wait3A_40 = tpu.memref_slice %arg4[%add3A_1, %dma_wait3A] : memref<8192x4096xf32, #tpu.memory_space<any>> -> memref<512x4096xf32, #tpu.memory_space<any>>
      tpu.wait_dma2 semaphore(%arg7 : memref<!tpu.dma_semaphore, #tpu.memory_space<semaphore_mem>>) src(%arg1 : memref<512x4096xf32, #tpu.memory_space<vmem>>) dst(%dma_wait3A_40 : memref<512x4096xf32, #tpu.memory_space<any>>)
    } else {
    }
    %dma_start3A = arith.constant 0 : i32
    %dma_start3A_4 = tpu.memref_slice %arg4[%add3A_1, %dma_start3A] : memref<8192x4096xf32, #tpu.memory_space<any>> -> memref<512x4096xf32, #tpu.memory_space<any>>
    tpu.enqueue_dma source(%arg1 : memref<512x4096xf32, #tpu.memory_space<vmem>>) target(%dma_start3A_4 : memref<512x4096xf32, #tpu.memory_space<any>>) target_semaphore(%arg7 : memref<!tpu.dma_semaphore, #tpu.memory_space<semaphore_mem>>)
    %get3A = arith.constant 0 : index
    %get3A_5 = arith.constant 0 : index
    %get3A_6 = vector.load %arg1[%get3A, %get3A_5] : memref<512x4096xf32, #tpu.memory_space<vmem>>, vector<512x4096xf32>
    %convert_element_type3A_7 = arith.truncf %get3A_6 : vector<512x4096xf32> to vector<512x4096xbf16>
    %get3A_8 = arith.constant 0 : index
    %get3A_9 = arith.constant 0 : index
    %get3A_10 = vector.load %arg2[%get3A_8, %get3A_9] : memref<4096x64xbf16, #tpu.memory_space<vmem>>, vector<4096x64xbf16>
    %dot_general3A = arith.constant dense<0.000000e+00> : vector<512x64xf32>
    %dot_general3A_11 = tpu.matmul %convert_element_type3A_7, %get3A_10, %dot_general3A {dimension_numbers = #tpu.dot_dimension_numbers<[1], [0], [0], [1], [0, 0, 1, 1], [], []>, transpose_lhs_hint = false} : vector<512x4096xbf16>, vector<4096x64xbf16>, vector<512x64xf32> -> vector<512x64xf32>
    %get3A_12 = arith.constant 0 : index
    %get3A_13 = arith.constant 0 : index
    %get3A_14 = vector.load %arg3[%get3A_12, %get3A_13] : memref<1x64xf32, #tpu.memory_space<vmem>>, vector<1x64xf32>
    %add3A_15 = vector.broadcast %get3A_14 : vector<1x64xf32> to vector<512x64xf32>
    %add3A_16 = arith.addf %dot_general3A_11, %add3A_15 : vector<512x64xf32>
    %exp3A = math.exp %add3A_16 : vector<512x64xf32>
    %reduce_sum3A = arith.constant dense<0.000000e+00> : vector<512xf32>
    %reduce_sum3A_17 = vector.multi_reduction <add>, %exp3A, %reduce_sum3A [1] : vector<512x64xf32> to vector<512xf32>
    %broadcast_in_dim3A = vector.shape_cast %reduce_sum3A_17 : vector<512xf32> to vector<512x1xf32>
    %div3A = vector.broadcast %broadcast_in_dim3A : vector<512x1xf32> to vector<512x64xf32>
    %div3A_18 = arith.divf %exp3A, %div3A : vector<512x64xf32>
    %swap3A = arith.constant 0 : index
    %swap3A_19 = arith.constant 0 : index
    %swap3A_20 = vector.load %arg5[%swap3A, %swap3A_19] : memref<512x64xf32, #tpu.memory_space<vmem>>, vector<512x64xf32>
    tpu.vector_store %arg5[%swap3A, %swap3A_19], %div3A_18 {strides = array<i32>} : memref<512x64xf32, #tpu.memory_space<vmem>>, vector<512x64xf32>,
    %eq3A = arith.constant 0 : i32
    %eq3A_21 = arith.cmpi eq, %arg0, %eq3A : i32
    %convert_element_type3A_22 = arith.extui %eq3A_21 : i1 to i32
    %cond3A_23 = arith.constant 0 : i32
    %cond3A_24 = arith.cmpi ne, %convert_element_type3A_22, %cond3A_23 : i32
    scf.if %cond3A_24 {
      %broadcast_in_dim3A_40 = arith.constant 0.000000e+00 : f32
      %broadcast_in_dim3A_41 = vector.broadcast %broadcast_in_dim3A_40 : f32 to vector<1x64xf32>
      %swap3A_42 = arith.constant 0 : index
      %swap3A_43 = arith.constant 0 : index
      %swap3A_44 = vector.load %arg6[%swap3A_42, %swap3A_43] : memref<1x64xf32, #tpu.memory_space<vmem>>, vector<1x64xf32>
      tpu.vector_store %arg6[%swap3A_42, %swap3A_43], %broadcast_in_dim3A_41 {strides = array<i32>} : memref<1x64xf32, #tpu.memory_space<vmem>>, vector<1x64xf32>,
    } else {
    }
    %get3A_25 = arith.constant 0 : index
    %get3A_26 = arith.constant 0 : index
    %get3A_27 = vector.load %arg6[%get3A_25, %get3A_26] : memref<1x64xf32, #tpu.memory_space<vmem>>, vector<1x64xf32>
    %reduce_sum3A_28 = arith.constant dense<0.000000e+00> : vector<64xf32>
    %reduce_sum3A_29 = vector.multi_reduction <add>, %div3A_18, %reduce_sum3A_28 [0] : vector<512x64xf32> to vector<64xf32>
    %broadcast_in_dim3A_30 = vector.shape_cast %reduce_sum3A_29 : vector<64xf32> to vector<1x64xf32>
    %add3A_31 = arith.addf %get3A_27, %broadcast_in_dim3A_30 : vector<1x64xf32>
    %swap3A_32 = arith.constant 0 : index
    %swap3A_33 = arith.constant 0 : index
    %swap3A_34 = vector.load %arg6[%swap3A_32, %swap3A_33] : memref<1x64xf32, #tpu.memory_space<vmem>>, vector<1x64xf32>
    tpu.vector_store %arg6[%swap3A_32, %swap3A_33], %add3A_31 {strides = array<i32>} : memref<1x64xf32, #tpu.memory_space<vmem>>, vector<1x64xf32>,
    %eq3A_35 = arith.constant 15 : i32
    %eq3A_36 = arith.cmpi eq, %arg0, %eq3A_35 : i32
    %convert_element_type3A_37 = arith.extui %eq3A_36 : i1 to i32
    %cond3A_38 = arith.constant 0 : i32
    %cond3A_39 = arith.cmpi ne, %convert_element_type3A_37, %cond3A_38 : i32
    scf.if %cond3A_39 {
      %dma_wait3A = arith.constant 0 : i32
      %dma_wait3A_40 = tpu.memref_slice %arg4[%add3A_1, %dma_wait3A] : memref<8192x4096xf32, #tpu.memory_space<any>> -> memref<512x4096xf32, #tpu.memory_space<any>>
      tpu.wait_dma2 semaphore(%arg7 : memref<!tpu.dma_semaphore, #tpu.memory_space<semaphore_mem>>) src(%arg1 : memref<512x4096xf32, #tpu.memory_space<vmem>>) dst(%dma_wait3A_40 : memref<512x4096xf32, #tpu.memory_space<any>>)
    } else {
    }
    return
  }
  func.func @transform_0(%arg0: i32) -> (i32, i32) {
    %add3A = arith.constant 0 : i32
    %add3A_0 = arith.addi %add3A, %arg0 : i32
    %c0_i32 = arith.constant 0 : i32
    %c0_i32_1 = arith.constant 0 : i32
    return %add3A_0, %c0_i32 : i32, i32
  }
  func.func @transform_1(%arg0: i32) -> (i32, i32) {
    %c0_i32 = arith.constant 0 : i32
    %c0_i32_0 = arith.constant 0 : i32
    %c0_i32_1 = arith.constant 0 : i32
    return %c0_i32, %c0_i32_0 : i32, i32
  }
  func.func @transform_2(%arg0: i32) -> (i32, i32) {
    %c0_i32 = arith.constant 0 : i32
    %c0_i32_0 = arith.constant 0 : i32
    %c0_i32_1 = arith.constant 0 : i32
    return %c0_i32, %c0_i32_0 : i32, i32
  }
  func.func @transform_4(%arg0: i32) -> (i32, i32) {
    %c0_i32 = arith.constant 0 : i32
    %c0_i32_0 = arith.constant 0 : i32
    return %arg0, %c0_i32 : i32, i32
  }
  func.func @transform_5(%arg0: i32) -> (i32, i32) {
    %c0_i32 = arith.constant 0 : i32
    %c0_i32_0 = arith.constant 0 : i32
    %c0_i32_1 = arith.constant 0 : i32
    return %c0_i32, %c0_i32_0 : i32, i32
  }
}

</mosaic_0001>

<sc_bundles>
// kernel: kernel.4.cloned.1.call-start
scs
__scs_entry_jumppad:
0x0: {  	(pc) =	sbr.rel $0x88, $3  }
0x1: {  	(tag) =	ssettag $0x0;
	lr =	simm.s32 $0x1  }
0x2: {  	[smem:$0x3F9E] =	sst lr;
	_ =	strace $0xD0000000  }
0x3: {  	_ = 	snop  }
0x4: {  	_ = 	snop  }
0x5: {  	_ = 	snop  }
0x6: {  	_ = 	snop  }
0x7: {  	_ = 	snop  }
__scs_overlays_trampoline_lowered:
0x8: {  	[smem:$0x3FAD] =	sst s0  }
0x9: {  	[smem:$0x3FAE] =	sst s1  }
0xa: {  	[smem:$0x3FAF] =	sst s2  }
0xb: {  	[smem:$0x3FB0] =	sst s3  }
0xc: {  	[smem:$0x3FB1] =	sst s4  }
0xd: {  	[smem:$0x3FB2] =	sst s5  }
0xe: {  	[smem:$0x3FB3] =	sst s6  }
0xf: {  	[smem:$0x3FB4] =	sst s7  }
0x10: {  	[smem:$0x3FB5] =	sst s8  }
0x11: {  	[smem:$0x3FB6] =	sst s9;
	s0 =	simm.s32 @!p0 $0x0  }
0x12: {  	s1 =	sld [smem:$0x3F9C];
	s0 =	simm.s32 @p0 $0x1  }
0x13: {  	[smem:$0x3FB7] =	sst s0;
	s0 =	simm.s32 @!p1 $0x0  }
0x14: {  	s2 =	sld [smem:$0x3F9B];
	s0 =	simm.s32 @p1 $0x1  }
0x15: {  	[smem:$0x3FB8] =	sst s0;
	s0 =	simm.s32 @!p2 $0x0  }
0x16: {  	s3 =	sld [smem:$0x3FDB];
	s0 =	simm.s32 @p2 $0x1  }
0x17: {  	s4 =	simm.s32 $0x1BF5;
	[smem:$0x3FBA] =	sst s0  }
0x18: {  	s0 =	sld [smem:$0x3F9D];
	_ =	swait.ge [sflag:s4], $0x0  }
0x19: {  	s7 =	sld [smem:$0x3F9E]  }
0x1a: {  	s8 =	sadd.s32 $0xFFFFE003, lr  }
0x1b: {  	s9 =	sadd.s32 $0xFFFFFEF7, lr;
	s5 =	simm.s32 $0xFFFFFFFF;
	p2 =	slt.u32 s8, $0xFFFFF086  }
0x1c: {  	p1 =	slt.u32 s9, $0xF7A;
	s5 =	simm.s32 @!p2 $0x0  }
0x1d: {  	s5 =	simm.s32 @p1 $0x1;
	p0 =	seq.s32 s7, s2  }
0x1e: {  	s7 =	smul.u32 @!p0 $0xF7A, s2;
	p2 =	seq.s32 @!p0 s5, $0x0  }
0x1f: {  	s9 =	smul.u32 $0xF7A, s1;
	s8 =	simm.s32 @!p0 $0x1BF5;
	p2 =	por !p2, p0  }
0x20: {  	[sflag:s8] =	ssyncset.s32 @!p0 $0xFFFFF086;
	s6 =	sadd.s32 @!p0 s3, s7;
	s7 =	simm.s32 @!p0 $0x108  }
0x21: {  	s3 =	sadd.s32 s3, s9;
	s6 =	sadd.s32 @!p0 $0x88, s6;
	s7 =	simm.s32 @p2 $0x1082  }
0x22: {  	[simem:s7], [sflag:s8] =	dma.local @!p0 [hbm:s6], $0xF7A  }
0x23: {  	s9 =	sor.u32 $0xD0000000, s2;
	s6 =	simm.s32 $0x108;
	_ =	swait.ge @!p0 [sflag:s8], $0x0  }
0x24: {  	s3 =	sadd.s32 $0x88, s3;
	s6 =	simm.s32 @!p1 $0x1082;
	[sflag:s4] =	ssyncset.s32 $0xFFFFF086  }
0x25: {  	[simem:s6], [sflag:s4] =	dma.local [hbm:s3], $0xF7A  }
0x26: {  	[smem:$0x3F9E] =	sst s1;
	(tag) =	ssettag s2;
	_ =	strace s9  }
0x27: {  	s1 =	sld [smem:$0x3FAE]  }
0x28: {  	s2 =	sld [smem:$0x3FAF]  }
0x29: {  	s4 =	sld [smem:$0x3FB1]  }
0x2a: {  	p0 =	seq.s32 s5, $0x0;
	s5 =	sld [smem:$0x3FB2]  }
0x2b: {  	s6 =	sld [smem:$0x3FB3]  }
0x2c: {  	s7 =	sld [smem:$0x3FB4]  }
0x2d: {  	s3 =	simm.s32 $0x108;
	s8 =	sld [smem:$0x3FB5]  }
0x2e: {  	s3 =	simm.s32 @!p0 $0x1082;
	s9 =	sld [smem:$0x3FB6]  }
0x2f: {  	lr =	sadd.s32 s0, s3;
	s0 =	sld [smem:$0x3FAD]  }
0x30: {  	s3 =	sld [smem:$0x3FB0]  }
0x31: {  	[smem:$0x3FB9] =	sst s10  }
0x32: {  	s10 =	sld [smem:$0x3FB7];
	_ =	sdelay $0x3  }
0x33: {  	p0 =	seq.s32 s10, $0x1;
	s10 =	sld [smem:$0x3FB9];
	_ =	sdelay $0x3  }
0x34: {  	[smem:$0x3FB9] =	sst s10  }
0x35: {  	s10 =	sld [smem:$0x3FB8];
	_ =	sdelay $0x3  }
0x36: {  	p1 =	seq.s32 s10, $0x1;
	s10 =	sld [smem:$0x3FB9];
	_ =	sdelay $0x3  }
0x37: {  	[smem:$0x3FB9] =	sst s10  }
0x38: {  	s10 =	sld [smem:$0x3FBA]  }
0x39: {  	_ = 	snop;
	(pc) =	sbr.ind lr, $3  }
0x3a: {  	_ = 	snop  }
0x3b: {  	_ = 	snop  }
0x3c: {  	p2 =	seq.s32 s10, $0x1;
	s10 =	sld [smem:$0x3FB9]  }
0x3d: {  	_ =	shalt  }
0x3e: {  	_ =	shalt  }
0x3f: {  	_ =	shalt  }
0x40: {  	_ =	shalt  }
0x41: {  	_ =	shalt  }
0x42: {  	_ =	shalt  }
0x43: {  	_ =	shalt  }
0x44: {  	_ =	shalt  }
0x45: {  	_ =	shalt  }
0x46: {  	_ =	shalt  }
0x47: {  	_ =	shalt  }
0x48: {  	_ =	shalt  }
0x49: {  	_ =	shalt  }
0x4a: {  	_ =	shalt  }
0x4b: {  	_ =	shalt  }
0x4c: {  	_ =	shalt  }
0x4d: {  	_ =	shalt  }
0x4e: {  	_ =	shalt  }
0x4f: {  	_ =	shalt  }
0x50: {  	_ =	shalt  }
0x51: {  	_ =	shalt  }
0x52: {  	_ =	shalt  }
0x53: {  	_ =	shalt  }
0x54: {  	_ =	shalt  }
0x55: {  	_ =	shalt  }
0x56: {  	_ =	shalt  }
0x57: {  	_ =	shalt  }
0x58: {  	_ =	shalt  }
0x59: {  	_ =	shalt  }
0x5a: {  	_ =	shalt  }
0x5b: {  	_ =	shalt  }
0x5c: {  	_ =	shalt  }
0x5d: {  	_ =	shalt  }
0x5e: {  	_ =	shalt  }
0x5f: {  	_ =	shalt  }
0x60: {  	_ =	shalt  }
0x61: {  	_ =	shalt  }
0x62: {  	_ =	shalt  }
0x63: {  	_ =	shalt  }
0x64: {  	_ =	shalt  }
0x65: {  	_ =	shalt  }
0x66: {  	_ =	shalt  }
0x67: {  	_ =	shalt  }
0x68: {  	_ =	shalt  }
0x69: {  	_ =	shalt  }
0x6a: {  	_ =	shalt  }
0x6b: {  	_ =	shalt  }
0x6c: {  	_ =	shalt  }
0x6d: {  	_ =	shalt  }
0x6e: {  	_ =	shalt  }
0x6f: {  	_ =	shalt  }
0x70: {  	_ =	shalt  }
0x71: {  	_ =	shalt  }
0x72: {  	_ =	shalt  }
0x73: {  	_ =	shalt  }
0x74: {  	_ =	shalt  }
0x75: {  	_ =	shalt  }
0x76: {  	_ =	shalt  }
0x77: {  	_ =	shalt  }
0x78: {  	_ =	shalt  }
0x79: {  	_ =	shalt  }
0x7a: {  	_ =	shalt  }
0x7b: {  	_ =	shalt  }
0x7c: {  	_ =	shalt  }
0x7d: {  	_ =	shalt  }
0x7e: {  	_ =	shalt  }
0x7f: {  	_ =	shalt  }
0x80: {  	_ =	shalt  }
0x81: {  	_ =	shalt  }
0x82: {  	_ =	shalt  }
0x83: {  	_ =	shalt  }
0x84: {  	_ =	shalt  }
0x85: {  	_ =	shalt  }
0x86: {  	_ =	shalt  }
0x87: {  	_ =	shalt  }
.Lfunc_end0:
.L_simem_size_0:
called_computation_lowered:
.L_overlay_start_0:
0x88: {  	s2 =	sld [smem:$0x3FD9]  }
0x89: {  	s3 =	sld [smem:$0x3FFE];
	_ =	sdelay $0x1  }
0x8a: {  	s1 =	srdreg.scid  }
0x8b: {  	s0 =	sand.u32 $0x1, s1  }
0x8c: {  	s14 =	sshll.u32 s0, $0xA;
	s2 =	sadd.s32 s3, s2  }
0x8d: {  	s2 =	sadd.s32 s2, s14  }
0x8e: {  	[smem:$0x3FC5] =	sst s2  }
0x8f: {  	_ = 	snop  }
0x90: {  	s2 =	sld [smem:$0x3FD0];
	_ =	sdelay $0x2  }
0x91: {  	s15 =	simm.s32 $0xA;
	s4 =	simm.s32 $0x10  }
0x92: {  	[smem:s4], [sflag:s15] =	dma.local [hbm:s2], $0x1  }
0x93: {  	_ =	swait.eq [sflag:s15], $0x1  }
0x94: {  	[sflag:s15] =	ssyncset.done $0x0  }
0x95: {  	[sflag:s15] =	ssyncadd.s32 $0xFFFFFFFF  }
0x96: {  	s16 =	sld [smem:$0x13];
	(tm) =	ssettm $0x1  }
0x97: {  	s17 =	sld [smem:$0x3FFB];
	_ =	sdelay $0x3  }
0x98: {  	_ =	strace s17  }
0x99: {  	s3 =	sld [smem:$0x3FFC];
	_ =	sdelay $0x3  }
0x9a: {  	_ =	strace s3  }
0x9b: {  	s3 =	sld [smem:$0x3FFD];
	_ =	sdelay $0x3  }
0x9c: {  	_ =	strace s3  }
0x9d: {  	_ =	strace $0x8FFFFFFF  }
0x9e: {  	s18 =	sld [smem:$0x3FDB];
	_ =	sdelay $0x1  }
0x9f: {  	s19 =	simm.s32 $_scs_section_size  }
0xa0: {  	s5 =	simm.s32 $_size__tile_overlayer_lowered;
	s6 =	simm.s32 $_tile_overlayer_lowered  }
0xa1: {  	s22 =	simm.s32 $0x1BFF;
	s21 =	sshll.u32 s6, $0x1;
	s3 =	sadd.s32 s19, s18  }
0xa2: {  	s7 =	simm.s32 $0x0;
	s20 =	sshll.u32 s5, $0x1;
	s5 =	sadd.s32 s21, s3  }
0xa3: {  	[timem:s7], [sflag:s22] =	dma.local [hbm:s5], s20  }
0xa4: {  	_ =	swait.ge [sflag:s22], s20  }
0xa5: {  	s4 =	ssub.s32 $0x0, s20;
	[sflag:s22] =	ssyncset.done $0x0  }
0xa6: {  	[sflag:s22] =	ssyncadd.s32 s4;
	_ =	sdelay $0x1  }
0xa7: {  	s23 =	simm.s32 $0x1B8B  }
0xa8: {  	_ =	swait.ge [sflag:s23], $0x1  }
0xa9: {  	[sflag:s23] =	ssyncset.done $0x0  }
0xaa: {  	s25 =	simm.s32 $0x1B8E;
	s24 =	sld [smem:$0x3FFE];
	[sflag:s23] =	ssyncadd.s32 $0xFFFFFFFF  }
0xab: {  	s26 =	simm.s32 $execute0_lowered;
	[smem:$0x3FD2] =	sst s25  }
0xac: {  	s5 =	sshll.u32 s26, $0x1;
	_ =	strace $0x80000046;
	[dreg:$0x1] =	wrdreg $0xFFFFFFFF  }
0xad: {  	s28 =	simm.s32 $_size_execute0_lowered;
	s3 =	sadd.s32 s3, s5;
	[dreg:$0x0] =	wrdreg $0x0  }
0xae: {  	s5 =	sshll.u32 s28, $0x1;
	[dreg:$0x2] =	wrdreg s3  }
0xaf: {  	[dreg:$0x3] =	wrdreg s5  }
0xb0: {  	[dreg:$0x4] =	wrdreg $0xC0  }
0xb1: {  	_ =	task [dreg:s7], $0x5FFFF  }
0xb2: {  	[dreg:$0x1] =	wrdreg $0xFFFFFFFF  }
0xb3: {  	[dreg:$0x0] =	wrdreg $0x60  }
0xb4: {  	[dreg:$0x2] =	wrdreg s24  }
0xb5: {  	[dreg:$0x3] =	wrdreg s16  }
0xb6: {  	[dreg:$0x4] =	wrdreg $0x9  }
0xb7: {  	_ =	task.clear_ibuf [dreg:s7], $0x5FFFF;
	_ =	strace $0x90000046  }
0xb8: {  	s29 =	simm.s32 $0x9;
	_ =	strace $0x80000048  }
0xb9: {  	_ =	swait.ge [sflag:s29], $0x1  }
0xba: {  	[sflag:s29] =	ssyncadd.s32 $0xFFFFFFFF  }
0xbb: {  	_ =	strace $0x90000048  }
0xbc: {  	_ =	sfence  }
0xbd: {  	s30 =	sld [smem:$0x0];
	_ =	sdelay $0x2  }
0xbe: {  	s31 =	sshll.u32 s1, $0xD;
	s1 =	sshrl.u32 s1, $0x2  }
0xbf: {  	s3 =	sand.u32 $0x4000, s31;
	s1 =	sadd.s32 s1, s30  }
0xc0: {  	s0 =	sor.u32 s3, s0;
	s1 =	sshll.u32 s1, $0x11  }
0xc1: {  	s0 =	sor.u32 s1, s0  }
0xc2: {  	s0 =	sadd.s32 $0x8F2B, s0  }
0xc3: {  	[sflag:s0] =	ssyncadd.remote.s32 $0x1  }
0xc4: {  	_ =	sfence.sel $0xFFFF  }
0xc5: {  	[dreg:$0x0] =	wrdreg $0xFFFFFFFF;
	(pc) =	sbr.abs _section_cstart, $3  }
0xc6: {  	[dreg:$0x1] =	wrdreg $0xFFFFFFFF  }
0xc7: {  	_ =	task.clear_ibuf [dreg:s7], $0x2FFFF;
	_ =	strace $0x9FFFFFFF  }
0xc8: {  	(tm) =	ssettm $0x7FFFFFFF  }
0xc9: {  	_ =	shalt  }
tec
execute0_lowered:
.L_overlay_start_1:
0x0: {  	(tag) =	ssettag $0x1  }
0x1: {  	s3 =	rddreg [dreg:$0x0]  }
0x2: {  	s4 =	rddreg [dreg:$0x1];
	v0 =	vimm.s32 $0xE40000  }
0x3: {  	s1 =	srdreg.scid;
	s0 =	rddreg [dreg:$0x2];
	s2 =	simm.s32 $0x0;
	v0 =	vunpack.c.l.s2.s4 v0  }
0x4: {  	s10 =	simm.s32 $0x0;
	s5 =	sand.u32 $0x1, s1;
	[smem:$0x7FF] =	sst s2  }
0x5: {  	s1 =	stileid.u32;
	s6 =	sshll.u32 s5, $0x4;
	s5 =	ssub.s32 $0x2, s5;
	v2 =	vunpack.c.l.s4.s8 v0  }
0x6: {  	v3 =	vimm.s32 $0x7060504;
	_ =	strace $0x80000047;
	s6 =	sor.u32 s1, s6;
	s31 =	sshrl.u32 s5, $0x1  }
0x7: {  	vm1 =	vcmask $0x3F30;
	v0 =	vlaneseq.u32;
	s7 =	sshll.u32 s6, $0xC;
	s6 =	sshll.u32 s6, $0x8;
	s9 =	ssub.s32 s5, s31;
	v4 =	vunpack.c.0.s8.s32 v2  }
0x8: {  	vm0 =	vmmov $0xff;
	v6 =	vunpack.c.0.s8.s32 v3;
	v5 =	vmul.u32 $0xFFFFFFFF, v0;
	s7 =	sadd.s32 s7, s3;
	s8 =	sadd.s32 s6, s3;
	s4 =	sadd.s32 s4, s6  }
0x9: {  	v1 =	vor.u32 $0x10, v0;
	v3 =	vor.u32 $0x30, v0;
	s6 =	smax.u32 s9, $0x1;
	s9 =	simm.s32 $0x8800;
	s3 =	sadd.s32 $0xE00, s7;
	v7 =	vand.u32 $0x3, v4  }
0xa: {  	v2 =	vor.u32 $0x20, v0;
	s5 =	sadd.s32 $0x20E00, s8;
	s7 =	simm.s32 $0x1;
	s8 =	simm.s32 $0x8000;
	v4 =	vadd.s32 $0xF, v5;
	v5 =	vsel vm1, v6, v7  }
.LBB2_1:
0xb: {  	[tilespmem:s2], [sflag:$0x1] =	stream.linear.gather [hbm4b:s3+s2], $0x8000, $0x38;
	[tilespmem:$0x9000] =	vst v63  }
0xc: {  	_ =	swait.ge [sflag:s7], $0x8000  }
0xd: {  	[sflag:s7] =	ssyncset.done $0x0  }
0xe: {  	s11 =	simm.s32 $0x80;
	[sflag:s7] =	ssyncadd.s32 $0xFFFF8000  }
0xf: {  	v6 =	vld [tilespmem:s11+$0xFFFFFFA0]  }
0x10: {  	v7 =	vld [tilespmem:s11+$0x20]  }
0x11: {  	v8 =	vld [tilespmem:s11+$0x30]  }
0x12: {  	v9 =	vld [tilespmem:s11+$0x10];
	_ =	sdelay $0x1  }
0x13: {  	v10 =	vld [tilespmem:s11+$0xFFFFFFB0];
	(xrf1) =	vsort.dscd.msk.f32 $0xffff, v6, v2  }
0x14: {  	v11 =	vld [tilespmem:s11+$0x0];
	(xrf1) =	vsort.dscd.msk.f32 $0xffff, v7, v2  }
0x15: {  	(xrf1) =	vsort.dscd.msk.f32 $0xffff, v8, v3  }
0x16: {  	v6 =	vld [tilespmem:s11+$0xFFFFFF90];
	(xrf1) =	vsort.dscd.msk.f32 $0xffff, v9, v1;
	_ =	sdelay $0x1  }
0x17: {  	(xrf1) =	vsort.dscd.msk.f32 $0xffff, v10, v3  }
0x18: {  	v7 =	vld [tilespmem:s11+$0xFFFFFF80];
	(xrf1) =	vsort.dscd.msk.f32 $0xffff, v11, v0;
	_ =	sdelay $0x1  }
0x19: {  	(xrf1) =	vsort.dscd.msk.f32 $0xffff, v6, v1;
	_ =	sdelay $0x2  }
0x1a: {  	(xrf1) =	vsort.dscd.msk.f32 $0xffff, v7, v0;
	_ =	sdelay $0x2  }
0x1b: {  	v6, v7, _ =	vpop (xrf1)  }
0x1c: {  	v8, v48, _ =	vpop (xrf1)  }
0x1d: {  	v49, v50, _ =	vpop (xrf1)  }
0x1e: {  	v10 =	vperm.xlane v49, v4;
	v11 =	vperm.xlane v50, v4;
	v12, v13, _ =	vpop (xrf1)  }
0x1f: {  	v12 =	vperm.xlane v12, v4  }
0x20: {  	v13 =	vperm.xlane v13, v4;
	v14, v15, _ =	vpop (xrf1);
	v8 =	vsel vm0, v8, v10;
	v9 =	vsel vm0, v48, v11  }
0x21: {  	v51, v52, _ =	vpop (xrf1);
	(xrf1) =	vsort.dscd.msk.f32 $0xffff, v8, v9  }
0x22: {  	v10 =	vsel vm0, v51, v12;
	v54 =	vsel vm0, v52, v13  }
0x23: {  	v14 =	vperm.xlane v14, v4;
	v15 =	vperm.xlane v15, v4;
	v53, v16, _ =	vpop (xrf1);
	(xrf1) =	vsort.dscd.msk.f32 $0xffff, v10, v54  }
0x24: {  	v8 =	vperm.xlane v53, v4  }
0x25: {  	v6 =	vsel vm0, v6, v14;
	v55 =	vperm.xlane v16, v4;
	v7 =	vsel vm0, v7, v15  }
0x26: {  	(xrf1) =	vsort.dscd.msk.f32 $0xffff, v6, v7;
	v9, v10, _ =	vpop (xrf1)  }
0x27: {  	v6 =	vsel vm0, v9, v8;
	v7 =	vsel vm0, v10, v55  }
0x28: {  	(xrf1) =	vsort.dscd.msk.f32 $0xffff, v6, v7;
	_ =	sdelay $0x6  }
0x29: {  	v6, v7, _ =	vpop (xrf1)  }
0x2a: {  	v7 =	vperm.xlane v7, v4  }
0x2b: {  	v6 =	vperm.xlane v6, v4;
	v8, v9, _ =	vpop (xrf1)  }
0x2c: {  	v7 =	vsel vm0, v9, v7  }
0x2d: {  	v6 =	vsel vm0, v8, v6  }
0x2e: {  	v8, v56, _ =	vpop (xrf1);
	(xrf1) =	vsort.dscd.msk.f32 $0xffff, v6, v7  }
0x2f: {  	v8 =	vperm.xlane v8, v4;
	v57 =	vperm.xlane v56, v4  }
0x30: {  	v6, v7, _ =	vpop (xrf1)  }
0x31: {  	v6 =	vsel vm0, v6, v8;
	v7 =	vsel vm0, v7, v57  }
0x32: {  	(xrf1) =	vsort.dscd.msk.f32 $0xffff, v6, v7;
	_ =	sdelay $0x9  }
0x33: {  	v6, v7, _ =	vpop (xrf1)  }
0x34: {  	v8 =	vnsel vm0, $0x0, v6;
	_ =	sdelay $0x2  }
0x35: {  	(xrf2) =	vadd.scan.msk.f32 $0xffff, v8;
	v8, v58, _ =	vpop (xrf1)  }
0x36: {  	v59 =	vnsel vm0, $0x0, v8  }
0x37: {  	(xrf2) =	vadd.scan.msk.f32 $0xffff, v59;
	_ =	sdelay $0x7  }
0x38: {  	v60, _, _ =	vpop (xrf2)  }
0x39: {  	v10 =	vbroadcast v60, $0xF  }
0x3a: {  	v61, _, _ =	vpop (xrf2)  }
0x3b: {  	(erf) = vrcp.f32 v10;
	v62 =	vbroadcast v61, $0xF;
	_ =	sdelay $0x1  }
0x3c: {  	(erf) = vrcp.f32 v62;
	_ =	sdelay $0x4  }
0x3d: {  	v7 =	vperm.xlane v7, v5;
	_ =	sdelay $0x1  }
0x3e: {  	v63 =	vpop (erf)  }
0x3f: {  	v10 =	vmul.f32 v63, v6  }
0x40: {  	s14 =	simm.s32 $0x0;
	v6 =	vsel vm0, v58, v7;
	v7 =	vpop (erf)  }
0x41: {  	s12 =	simm.s32 $0x40;
	[tilespmem:s14+$0x8000] =	vst v6;
	v6 =	vmul.f32 v7, v8;
	v7 =	vperm.xlane v10, v5  }
.LBB2_2:
0x42: {  	p0 =	sne.s32 s12, $0x1FC0  }
0x43: {  	s11 =	sadd.s32 $0x100, s11;
	s13 =	smov.u32 s12;
	s12 =	sadd.s32 $0x40, s12;
	v6 =	vsel vm0, v6, v7  }
0x44: {  	[tilespmem:s14+$0x8800] =	vst v6  }
0x45: {  	v6 =	vld [tilespmem:s11+$0xFFFFFFA0]  }
0x46: {  	v7 =	vld [tilespmem:s11+$0x20]  }
0x47: {  	v8 =	vld [tilespmem:s11+$0x30]  }
0x48: {  	v9 =	vld [tilespmem:s11+$0x10]  }
0x49: {  	v10 =	vld [tilespmem:s11+$0xFFFFFFB0]  }
0x4a: {  	v11 =	vld [tilespmem:s11+$0x0];
	(xrf1) =	vsort.dscd.msk.f32 $0xffff, v6, v2  }
0x4b: {  	v6 =	vld [tilespmem:s11+$0xFFFFFF90];
	(xrf1) =	vsort.dscd.msk.f32 $0xffff, v7, v2  }
0x4c: {  	(xrf1) =	vsort.dscd.msk.f32 $0xffff, v8, v3  }
0x4d: {  	(xrf1) =	vsort.dscd.msk.f32 $0xffff, v9, v1  }
0x4e: {  	v7 =	vld [tilespmem:s11+$0xFFFFFF80];
	(xrf1) =	vsort.dscd.msk.f32 $0xffff, v10, v3  }
0x4f: {  	(xrf1) =	vsort.dscd.msk.f32 $0xffff, v11, v0  }
0x50: {  	(xrf1) =	vsort.dscd.msk.f32 $0xffff, v6, v1;
	_ =	sdelay $0x2  }
0x51: {  	(xrf1) =	vsort.dscd.msk.f32 $0xffff, v7, v0;
	_ =	sdelay $0x4  }
0x52: {  	v6, v7, _ =	vpop (xrf1)  }
0x53: {  	v8, v9, _ =	vpop (xrf1)  }
0x54: {  	v10, v11, _ =	vpop (xrf1)  }
0x55: {  	v18 =	vperm.xlane v10, v4;
	v19 =	vperm.xlane v11, v4;
	v12, v13, _ =	vpop (xrf1)  }
0x56: {  	v17 =	vperm.xlane v12, v4;
	v13 =	vperm.xlane v13, v4;
	v14, v15, _ =	vpop (xrf1)  }
0x57: {  	v14 =	vperm.xlane v14, v4;
	v10, v11, _ =	vpop (xrf1)  }
0x58: {  	v8 =	vsel vm0, v8, v18;
	v9 =	vsel vm0, v9, v19;
	v10 =	vsel vm0, v10, v17  }
0x59: {  	v15 =	vperm.xlane v15, v4;
	v12, v16, _ =	vpop (xrf1);
	(xrf1) =	vsort.dscd.msk.f32 $0xffff, v8, v9;
	v9 =	vsel vm0, v11, v13  }
0x5a: {  	v8 =	vperm.xlane v12, v4;
	v6 =	vsel vm0, v6, v14  }
0x5b: {  	v11 =	vperm.xlane v16, v4;
	v7 =	vsel vm0, v7, v15;
	(xrf1) =	vsort.dscd.msk.f32 $0xffff, v10, v9  }
0x5c: {  	v9, v10, _ =	vpop (xrf1);
	(xrf1) =	vsort.dscd.msk.f32 $0xffff, v6, v7  }
0x5d: {  	v6 =	vsel vm0, v9, v8;
	v7 =	vsel vm0, v10, v11  }
0x5e: {  	(xrf1) =	vsort.dscd.msk.f32 $0xffff, v6, v7;
	_ =	sdelay $0x8  }
0x5f: {  	v6, v7, _ =	vpop (xrf1)  }
0x60: {  	v6 =	vperm.xlane v6, v4;
	v12 =	vperm.xlane v7, v4  }
0x61: {  	v8, v9, _ =	vpop (xrf1)  }
0x62: {  	v11 =	vsel vm0, v8, v6;
	v10 =	vsel vm0, v9, v12;
	v8, v9, _ =	vpop (xrf1)  }
0x63: {  	v8 =	vperm.xlane v8, v4;
	v9 =	vperm.xlane v9, v4;
	(xrf1) =	vsort.dscd.msk.f32 $0xffff, v11, v10  }
0x64: {  	v6, v7, _ =	vpop (xrf1)  }
0x65: {  	v6 =	vsel vm0, v6, v8;
	v7 =	vsel vm0, v7, v9  }
0x66: {  	(xrf1) =	vsort.dscd.msk.f32 $0xffff, v6, v7;
	_ =	sdelay $0xa  }
0x67: {  	v6, v7, _ =	vpop (xrf1)  }
0x68: {  	v10 =	vnsel vm0, $0x0, v6  }
0x69: {  	v7 =	vperm.xlane v7, v5;
	(xrf2) =	vadd.scan.msk.f32 $0xffff, v10  }
0x6a: {  	v8, v9, _ =	vpop (xrf1)  }
0x6b: {  	s14 =	sshra.s32 s13, $0x2;
	v10 =	vnsel vm0, $0x0, v8;
	v7 =	vsel vm0, v9, v7  }
0x6c: {  	[tilespmem:s14+$0x8000] =	vst v7;
	(xrf2) =	vadd.scan.msk.f32 $0xffff, v10;
	_ =	sdelay $0x6  }
0x6d: {  	v7, _, _ =	vpop (xrf2)  }
0x6e: {  	v7 =	vbroadcast v7, $0xF;
	_ =	sdelay $0x1  }
0x6f: {  	v9, _, _ =	vpop (xrf2);
	(erf) = vrcp.f32 v7  }
0x70: {  	v7 =	vbroadcast v9, $0xF;
	_ =	sdelay $0x1  }
0x71: {  	(erf) = vrcp.f32 v7;
	_ =	sdelay $0x5  }
.Ltmp0:
0x72: {  	v7 =	vpop (erf);
	(pc) =	sbr.rel @p0 .LBB2_2-.Ltmp0, $3  }
0x73: {  	v7 =	vmul.f32 v7, v6;
	_ =	sdelay $0x1  }
0x74: {  	v6 =	vpop (erf)  }
0x75: {  	v7 =	vperm.xlane v7, v5;
	v6 =	vmul.f32 v6, v8  }
0x76: {  	_ = 	snop  }
0x77: {  	v6 =	vsel vm0, v6, v7  }
0x78: {  	[tilespmem:s14+$0x8800] =	vst v6  }
0x79: {  	[hbm4b:s4+s2] =	stream.linear.scatter [tilespmem:s8], [sflag:$0x1], $0x800, $0x38;
	[tilespmem:$0x9000] =	vst v63  }
0x7a: {  	s10 =	sadd.s32 $0x1, s10;
	_ =	swait.ge [sflag:s7], $0x800  }
0x7b: {  	p0 =	sne.s32 s10, s6;
	[sflag:s7] =	ssyncset.done $0x0  }
.Ltmp1:
0x7c: {  	[sflag:s7] =	ssyncadd.s32 $0xFFFFF800;
	(pc) =	sbr.rel @p0 .LBB2_1-.Ltmp1, $4  }
0x7d: {  	[hbm4b:s5+s2] =	stream.linear.scatter [tilespmem:s9], [sflag:$0x1], $0x800, $0x38;
	[tilespmem:$0x9000] =	vst v63  }
0x7e: {  	_ =	swait.ge [sflag:s7], $0x800  }
0x7f: {  	[sflag:s7] =	ssyncset.done $0x0  }
0x80: {  	[sflag:s7] =	ssyncadd.s32 $0xFFFFF800  }
0x81: {  	_ =	sfence.sel $0x180000  }
0x82: {  	[bflag:$0x0] =	sbarrier.arrive $0xFFFF  }
0x83: {  	p0 =	sne.s32 s1, $0x0;
	_ =	strace $0x90000047  }
0x84: {  	s0 =	sadd.s32 @!p0 $0x100000, s0;
	[bflag:$0x2] =	sbarrier.arrive $0xFFFF  }
0x85: {  	[sflag:s0] =	ssyncadd.tile.s32 @!p0 $0x1;
	_ =	shalt  }
.Lfunc_end2:
_tile_overlayer_lowered:
.L_overlay_start_2:
0x86: {  	(tag) =	ssettag $0x2  }
0x87: {  	s0 =	rddreg [dreg:$0x0];
	s2 =	stileid.u32  }
0x88: {  	s1 =	rddreg [dreg:$0x1];
	p0 =	sne.s32 s2, $0x0  }
0x89: {  	s3 =	rddreg [dreg:$0x2];
	[bflag:$0x3] =	sbarrier.arrive $0xFFFF;
	s2 =	simm.s32 @!p0 $0x1C01  }
0x8a: {  	[timem:s3], [sflag:s2] =	dma.local @!p0 [hbm:s0], s1  }
0x8b: {  	s0 =	simm.s32 @!p0 $0x1  }
0x8c: {  	_ =	swait.ge @!p0 [sflag:s0], s1  }
0x8d: {  	s1 =	ssub.s32 @!p0 $0x0, s1;
	[sflag:s0] =	ssyncset.done @!p0 $0x0  }
0x8e: {  	[sflag:s0] =	ssyncadd.s32 @!p0 s1  }
0x8f: {  	[bflag:$0x3] =	sbarrier.arrive $0xFFFF  }
0x90: {  	_ =	shalt  }

</sc_bundles>
